<compile_context>
chip_gen: v7x
topology: tpu7x:2x2x1
jax: 0.10.2.dev20260603
libtpu: 0.0.44.dev20260713+nightly
codegen_flags: <defaults>
</compile_context>

<pallas_src>
import functools

import jax
import jax.numpy as jnp
from jax import lax
from jax.experimental import pallas as pl
from jax.experimental.pallas import tpu as pltpu
from jax.experimental.pallas import tpu_sc as plsc

N_NODES = 10000
N_EDGES = 320000
D = 128

NC = 2
NS = 16
NW = NC * NS

CHUNK = 128
NBUF = 3
NCHUNK = 81
EPT = NCHUNK * CHUNK
E_PAD = EPT * NW
N_DUMMY = 112
ACC_ROWS = 10112
RPT = ACC_ROWS // NS

MM_BLK = 1000


def _transform_body(x_ref, w_ref, b_ref, o_ref):
    o_ref[...] = (
        jnp.dot(x_ref[...], w_ref[...], preferred_element_type=jnp.float32)
        + b_ref[...]
    )


_transform = pl.pallas_call(
    _transform_body,
    grid=(N_NODES // MM_BLK, 4),
    in_specs=[
        pl.BlockSpec((MM_BLK, D), lambda i, j: (i, 0)),
        pl.BlockSpec((D, D), lambda i, j: (0, j)),
        pl.BlockSpec((1, D), lambda i, j: (0, j)),
    ],
    out_specs=pl.BlockSpec((MM_BLK, D),
                           lambda i, j: (j * (N_NODES // MM_BLK) + i, 0)),
    out_shape=jax.ShapeDtypeStruct((4 * N_NODES, D), jnp.float32),
)


def _combine_body(t_ref, p_ref, o_ref):
    o_ref[...] = jnp.maximum(t_ref[...] + p_ref[0] + p_ref[1], 0.0)


_combine = pl.pallas_call(
    _combine_body,
    grid=(N_NODES // MM_BLK,),
    in_specs=[
        pl.BlockSpec((MM_BLK, D),
                     lambda i: (3 * (N_NODES // MM_BLK) + i, 0)),
        pl.BlockSpec((NC, MM_BLK, D), lambda i: (0, i, 0)),
    ],
    out_specs=pl.BlockSpec((MM_BLK, D), lambda i: (i, 0)),
    out_shape=jax.ShapeDtypeStruct((N_NODES, D), jnp.float32),
)


_sc_mesh = plsc.VectorSubcoreMesh(core_axis_name="c", subcore_axis_name="s")


@functools.partial(
    pl.kernel,
    out_type=jax.ShapeDtypeStruct((NC, ACC_ROWS, D), jnp.float32),
    mesh=_sc_mesh,
    scratch_types=(
        [pltpu.VMEM((CHUNK,), jnp.int32) for _ in range(NBUF)]
        + [pltpu.VMEM((CHUNK,), jnp.int32) for _ in range(NBUF)]
        + [pltpu.VMEM((CHUNK, D), jnp.float32) for _ in range(NBUF)]
        + [pltpu.VMEM_SHARED((ACC_ROWS, D), jnp.float32)]
        + [pltpu.SemaphoreType.DMA for _ in range(2 * NBUF)]
    ),
)
def _edge_scatter(table_hbm, g_hbm, dst_hbm, zero_hbm, out_hbm,
                  g0, g1, g2, d0, d1, d2, r0, r1, r2, acc,
                  si0, si1, si2, sg0, sg1, sg2):
    cid = lax.axis_index("c")
    sid = lax.axis_index("s")
    base = (cid * NS + sid) * EPT

    g_bufs = (g0, g1, g2)
    d_bufs = (d0, d1, d2)
    r_bufs = (r0, r1, r2)
    si = (si0, si1, si2)
    sg = (sg0, sg1, sg2)

    def fire_idx(b, i):
        off = base + i * CHUNK
        pltpu.async_copy(g_hbm.at[pl.ds(off, CHUNK)], g_bufs[b], si[b])
        pltpu.async_copy(dst_hbm.at[pl.ds(off, CHUNK)], d_bufs[b], si[b])

    def wait_idx(b, i):
        off = base + i * CHUNK
        pltpu.make_async_copy(g_hbm.at[pl.ds(off, CHUNK)], g_bufs[b],
                              si[b]).wait()
        pltpu.make_async_copy(dst_hbm.at[pl.ds(off, CHUNK)], d_bufs[b],
                              si[b]).wait()

    def fire_gather(b):
        pltpu.async_copy(table_hbm.at[g_bufs[b]], r_bufs[b], sg[b])

    def wait_gather(b):
        pltpu.make_async_copy(table_hbm.at[g_bufs[b]], r_bufs[b],
                              sg[b]).wait()

    acc_rows = pl.ds(sid * RPT, RPT)
    pltpu.sync_copy(zero_hbm.at[acc_rows], acc.at[acc_rows])

    fire_idx(0, 0)
    fire_idx(1, 1)
    fire_idx(2, 2)
    wait_idx(0, 0)
    fire_gather(0)
    wait_idx(1, 1)
    fire_gather(1)

    plsc.subcore_barrier()

    @pl.loop(0, NCHUNK, step=NBUF)
    def _(i0):
        for db in range(NBUF):
            b = db
            i = i0 + db
            wait_gather(b)
            pltpu.sync_copy(r_bufs[b], acc.at[d_bufs[b]], add=True)

            @pl.when(i + NBUF < NCHUNK)
            def _():
                fire_idx(b, i + NBUF)

            @pl.when(i + 2 < NCHUNK)
            def _():
                b2 = (db + 2) % NBUF
                wait_idx(b2, i + 2)
                fire_gather(b2)

    plsc.subcore_barrier()

    pltpu.sync_copy(acc.at[acc_rows], out_hbm.at[cid, acc_rows])


def kernel(x, edge_index, edge_type, W0, W1, W2, Ws, bs):
    x = x.astype(jnp.float32)
    src = edge_index[0].astype(jnp.int32)
    dst = edge_index[1].astype(jnp.int32)
    et = edge_type.astype(jnp.int32)

    pad = E_PAD - N_EDGES
    pad_pos = jnp.arange(pad, dtype=jnp.int32)
    g = jnp.concatenate([et * N_NODES + src, pad_pos % 4096])
    dst = jnp.concatenate([dst, N_NODES + pad_pos % N_DUMMY])
    zero = jnp.zeros((ACC_ROWS, D), jnp.float32)

    w_cat = jnp.concatenate([W0, W1, W2, Ws], axis=0).T
    b_cat = jnp.zeros((1, 4 * D), jnp.float32).at[0, 3 * D:].set(bs)

    table = _transform(x, w_cat, b_cat)
    partials = _edge_scatter(table, g, dst, zero)
    return _combine(table, partials)

# --- scband reference (transcript-rebuilt; emitter-appended) ---
"""Pipeline reference for scband-rgcnlayer-71133248357082 (READ-ONLY COPY).

The authoritative reference and input builder live on the scoring server;
editing this copy changes nothing except your own understanding.
"""

import jax, jax.numpy as jnp
import numpy as np

N_NODES = 10000
N_EDGES = 320000
D = 128

def setup_inputs(seed: int = 0) -> dict:
    key = jax.random.key(seed)
    k_x, k_ei, k_et, k0, k1, k2, k_s, k_b = jax.random.split(key, 8)
    x = jax.random.normal(k_x, (N_NODES, D), dtype=jnp.float32)
    edge_index = jax.random.randint(k_ei, (2, N_EDGES), 0, N_NODES, dtype=jnp.int64)
    edge_type = jax.random.randint(k_et, (N_EDGES,), 0, 3, dtype=jnp.int64)
    scale = 1.0 / np.sqrt(D)
    W0 = jax.random.uniform(k0, (D, D), dtype=jnp.float32, minval=-scale, maxval=scale)
    W1 = jax.random.uniform(k1, (D, D), dtype=jnp.float32, minval=-scale, maxval=scale)
    W2 = jax.random.uniform(k2, (D, D), dtype=jnp.float32, minval=-scale, maxval=scale)
    Ws = jax.random.uniform(k_s, (D, D), dtype=jnp.float32, minval=-scale, maxval=scale)
    bs = jax.random.uniform(k_b, (D,), dtype=jnp.float32, minval=-scale, maxval=scale)
    return {"x": x, "edge_index": edge_index, "edge_type": edge_type, "W0": W0, "W1": W1, "W2": W2, "Ws": Ws, "bs": bs}

def reference(x, edge_index, edge_type, W0, W1, W2, Ws, bs):
    # self-loop linear (with bias)
    out = x @ Ws.T + bs
    src = edge_index[0]
    dst = edge_index[1]
    # relation-typed message passing: equivalent to torch's masked index_add per relation.
    # messages for non-matching relation are zeroed, so the scatter-add matches exactly.
    for r, W in enumerate([W0, W1, W2]):
        msg = x[src] @ W.T  # gather + per-edge linear transform
        msg = jnp.where((edge_type == r)[:, None], msg, jnp.zeros_like(msg))
        out = out.at[dst].add(msg)  # scatter-add to destination nodes
    return jax.nn.relu(out)

if __name__ == "__main__":
    import jax
    _d = setup_inputs()
    print(jax.jit(kernel)(*tuple(_d.values())))

</pallas_src>

<mosaic_0001>
#map = affine_map<(d0, d1) -> (0, 0)>
#map1 = affine_map<(d0, d1) -> (0)>
#map2 = affine_map<(d0, d1) -> (0, 0, 0)>
module attributes {stable_mosaic.version = 14 : i64} {
  func.func @_edge_scatter(%arg0: i32, %arg1: i32, %arg2: memref<40000x128xf32, #tpu.memory_space<hbm>>, %arg3: memref<331776xi32, #tpu.memory_space<hbm>>, %arg4: memref<331776xi32, #tpu.memory_space<hbm>>, %arg5: memref<10112x128xf32, #tpu.memory_space<hbm>>, %arg6: memref<2x10112x128xf32, #tpu.memory_space<hbm>>, %arg7: memref<128xi32, #tpu.memory_space<vmem>>, %arg8: memref<128xi32, #tpu.memory_space<vmem>>, %arg9: memref<128xi32, #tpu.memory_space<vmem>>, %arg10: memref<128xi32, #tpu.memory_space<vmem>>, %arg11: memref<128xi32, #tpu.memory_space<vmem>>, %arg12: memref<128xi32, #tpu.memory_space<vmem>>, %arg13: memref<128x128xf32, #tpu.memory_space<vmem>>, %arg14: memref<128x128xf32, #tpu.memory_space<vmem>>, %arg15: memref<128x128xf32, #tpu.memory_space<vmem>>, %arg16: memref<10112x128xf32, #tpu.memory_space<vmem_shared>>, %arg17: memref<!tpu.dma_semaphore, #tpu.memory_space<semaphore_mem>>, %arg18: memref<!tpu.dma_semaphore, #tpu.memory_space<semaphore_mem>>, %arg19: memref<!tpu.dma_semaphore, #tpu.memory_space<semaphore_mem>>, %arg20: memref<!tpu.dma_semaphore, #tpu.memory_space<semaphore_mem>>, %arg21: memref<!tpu.dma_semaphore, #tpu.memory_space<semaphore_mem>>, %arg22: memref<!tpu.dma_semaphore, #tpu.memory_space<semaphore_mem>>) attributes {dimension_semantics = [#tpu.dimension_semantics<core_parallel>, #tpu.dimension_semantics<subcore_parallel>], iteration_bounds = array<i64: 2, 16>, scalar_prefetch = 0 : i64, scratch_operands = 16 : i64, tpu.core_type = #tpu.core_type<sc_vector_subcore>, window_params = [{transform_indices = #map}, {transform_indices = #map1}, {transform_indices = #map1}, {transform_indices = #map}, {transform_indices = #map2}]} {
    %mul3A = arith.constant 16 : i32
    %mul3A_0 = arith.muli %arg0, %mul3A : i32
    %add3A = arith.addi %mul3A_0, %arg1 : i32
    %mul3A_1 = arith.constant 10368 : i32
    %mul3A_2 = arith.muli %add3A, %mul3A_1 : i32
    %mul3A_3 = arith.constant 632 : i32
    %mul3A_4 = arith.muli %arg1, %mul3A_3 : i32
    "tpu.region"() ({
      %run_scoped3A = tpu.sem_alloc : memref<!tpu.dma_semaphore, #tpu.memory_space<semaphore_mem>>
      %dma_start3A_44 = arith.constant 0 : i32
      %dma_start3A_45 = tpu.memref_slice %arg16[%mul3A_4, %dma_start3A_44] : memref<10112x128xf32, #tpu.memory_space<vmem_shared>> -> memref<632x128xf32, #tpu.memory_space<vmem_shared>>
      %dma_start3A_46 = arith.constant 0 : i32
      %dma_start3A_47 = tpu.memref_slice %arg5[%mul3A_4, %dma_start3A_46] : memref<10112x128xf32, #tpu.memory_space<hbm>> -> memref<632x128xf32, #tpu.memory_space<hbm>>
      tpu.enqueue_dma source(%dma_start3A_47 : memref<632x128xf32, #tpu.memory_space<hbm>>) target(%dma_start3A_45 : memref<632x128xf32, #tpu.memory_space<vmem_shared>>) target_semaphore(%run_scoped3A : memref<!tpu.dma_semaphore, #tpu.memory_space<semaphore_mem>>)
      %dma_wait3A_48 = arith.constant 0 : i32
      %dma_wait3A_49 = tpu.memref_slice %arg16[%mul3A_4, %dma_wait3A_48] : memref<10112x128xf32, #tpu.memory_space<vmem_shared>> -> memref<632x128xf32, #tpu.memory_space<vmem_shared>>
      %dma_wait3A_50 = arith.constant 0 : i32
      %dma_wait3A_51 = tpu.memref_slice %arg5[%mul3A_4, %dma_wait3A_50] : memref<10112x128xf32, #tpu.memory_space<hbm>> -> memref<632x128xf32, #tpu.memory_space<hbm>>
      tpu.wait_dma2 semaphore(%run_scoped3A : memref<!tpu.dma_semaphore, #tpu.memory_space<semaphore_mem>>) src(%dma_wait3A_51 : memref<632x128xf32, #tpu.memory_space<hbm>>) dst(%dma_wait3A_49 : memref<632x128xf32, #tpu.memory_space<vmem_shared>>)
      tpu.yield
    }) : () -> ()
    %add3A_5 = arith.constant 0 : i32
    %add3A_6 = arith.addi %mul3A_2, %add3A_5 : i32
    %dma_start3A = tpu.memref_slice %arg3[%add3A_6] : memref<331776xi32, #tpu.memory_space<hbm>> -> memref<128xi32, #tpu.memory_space<hbm>>
    %dma_start3A_7 = tpu.memref_slice %arg3[%add3A_6] : memref<331776xi32, #tpu.memory_space<hbm>> -> memref<128xi32, #tpu.memory_space<hbm>>
    tpu.enqueue_dma source(%dma_start3A_7 : memref<128xi32, #tpu.memory_space<hbm>>) target(%arg7 : memref<128xi32, #tpu.memory_space<vmem>>) target_semaphore(%arg17 : memref<!tpu.dma_semaphore, #tpu.memory_space<semaphore_mem>>)
    %dma_start3A_8 = tpu.memref_slice %arg4[%add3A_6] : memref<331776xi32, #tpu.memory_space<hbm>> -> memref<128xi32, #tpu.memory_space<hbm>>
    %dma_start3A_9 = tpu.memref_slice %arg4[%add3A_6] : memref<331776xi32, #tpu.memory_space<hbm>> -> memref<128xi32, #tpu.memory_space<hbm>>
    tpu.enqueue_dma source(%dma_start3A_9 : memref<128xi32, #tpu.memory_space<hbm>>) target(%arg10 : memref<128xi32, #tpu.memory_space<vmem>>) target_semaphore(%arg17 : memref<!tpu.dma_semaphore, #tpu.memory_space<semaphore_mem>>)
    %add3A_10 = arith.constant 128 : i32
    %add3A_11 = arith.addi %mul3A_2, %add3A_10 : i32
    %dma_start3A_12 = tpu.memref_slice %arg3[%add3A_11] : memref<331776xi32, #tpu.memory_space<hbm>> -> memref<128xi32, #tpu.memory_space<hbm>>
    %dma_start3A_13 = tpu.memref_slice %arg3[%add3A_11] : memref<331776xi32, #tpu.memory_space<hbm>> -> memref<128xi32, #tpu.memory_space<hbm>>
    tpu.enqueue_dma source(%dma_start3A_13 : memref<128xi32, #tpu.memory_space<hbm>>) target(%arg8 : memref<128xi32, #tpu.memory_space<vmem>>) target_semaphore(%arg18 : memref<!tpu.dma_semaphore, #tpu.memory_space<semaphore_mem>>)
    %dma_start3A_14 = tpu.memref_slice %arg4[%add3A_11] : memref<331776xi32, #tpu.memory_space<hbm>> -> memref<128xi32, #tpu.memory_space<hbm>>
    %dma_start3A_15 = tpu.memref_slice %arg4[%add3A_11] : memref<331776xi32, #tpu.memory_space<hbm>> -> memref<128xi32, #tpu.memory_space<hbm>>
    tpu.enqueue_dma source(%dma_start3A_15 : memref<128xi32, #tpu.memory_space<hbm>>) target(%arg11 : memref<128xi32, #tpu.memory_space<vmem>>) target_semaphore(%arg18 : memref<!tpu.dma_semaphore, #tpu.memory_space<semaphore_mem>>)
    %add3A_16 = arith.constant 256 : i32
    %add3A_17 = arith.addi %mul3A_2, %add3A_16 : i32
    %dma_start3A_18 = tpu.memref_slice %arg3[%add3A_17] : memref<331776xi32, #tpu.memory_space<hbm>> -> memref<128xi32, #tpu.memory_space<hbm>>
    %dma_start3A_19 = tpu.memref_slice %arg3[%add3A_17] : memref<331776xi32, #tpu.memory_space<hbm>> -> memref<128xi32, #tpu.memory_space<hbm>>
    tpu.enqueue_dma source(%dma_start3A_19 : memref<128xi32, #tpu.memory_space<hbm>>) target(%arg9 : memref<128xi32, #tpu.memory_space<vmem>>) target_semaphore(%arg19 : memref<!tpu.dma_semaphore, #tpu.memory_space<semaphore_mem>>)
    %dma_start3A_20 = tpu.memref_slice %arg4[%add3A_17] : memref<331776xi32, #tpu.memory_space<hbm>> -> memref<128xi32, #tpu.memory_space<hbm>>
    %dma_start3A_21 = tpu.memref_slice %arg4[%add3A_17] : memref<331776xi32, #tpu.memory_space<hbm>> -> memref<128xi32, #tpu.memory_space<hbm>>
    tpu.enqueue_dma source(%dma_start3A_21 : memref<128xi32, #tpu.memory_space<hbm>>) target(%arg12 : memref<128xi32, #tpu.memory_space<vmem>>) target_semaphore(%arg19 : memref<!tpu.dma_semaphore, #tpu.memory_space<semaphore_mem>>)
    %add3A_22 = arith.constant 0 : i32
    %add3A_23 = arith.addi %mul3A_2, %add3A_22 : i32
    %dma_wait3A = tpu.memref_slice %arg3[%add3A_23] : memref<331776xi32, #tpu.memory_space<hbm>> -> memref<128xi32, #tpu.memory_space<hbm>>
    %dma_wait3A_24 = tpu.memref_slice %arg3[%add3A_23] : memref<331776xi32, #tpu.memory_space<hbm>> -> memref<128xi32, #tpu.memory_space<hbm>>
    tpu.wait_dma2 semaphore(%arg17 : memref<!tpu.dma_semaphore, #tpu.memory_space<semaphore_mem>>) src(%dma_wait3A_24 : memref<128xi32, #tpu.memory_space<hbm>>) dst(%arg7 : memref<128xi32, #tpu.memory_space<vmem>>)
    %dma_wait3A_25 = tpu.memref_slice %arg4[%add3A_23] : memref<331776xi32, #tpu.memory_space<hbm>> -> memref<128xi32, #tpu.memory_space<hbm>>
    %dma_wait3A_26 = tpu.memref_slice %arg4[%add3A_23] : memref<331776xi32, #tpu.memory_space<hbm>> -> memref<128xi32, #tpu.memory_space<hbm>>
    tpu.wait_dma2 semaphore(%arg17 : memref<!tpu.dma_semaphore, #tpu.memory_space<semaphore_mem>>) src(%dma_wait3A_26 : memref<128xi32, #tpu.memory_space<hbm>>) dst(%arg10 : memref<128xi32, #tpu.memory_space<vmem>>)
    %dma_start3A_27 = arith.constant 0 : i32
    %dma_start3A_28 = arith.constant 0 : i32
    %dma_start3A_29 = tpu.memref_slice %arg2[%dma_start3A_27, %dma_start3A_28] : memref<40000x128xf32, #tpu.memory_space<hbm>> -> memref<40000x128xf32, #tpu.memory_space<hbm>>
    tpu.enqueue_indirect_dma source(%dma_start3A_29 : memref<40000x128xf32, #tpu.memory_space<hbm>>) target(%arg13 : memref<128x128xf32, #tpu.memory_space<vmem>>) offsets(%arg7 : memref<128xi32, #tpu.memory_space<vmem>>) semaphore(%arg20 : memref<!tpu.dma_semaphore, #tpu.memory_space<semaphore_mem>>)
    %add3A_30 = arith.constant 128 : i32
    %add3A_31 = arith.addi %mul3A_2, %add3A_30 : i32
    %dma_wait3A_32 = tpu.memref_slice %arg3[%add3A_31] : memref<331776xi32, #tpu.memory_space<hbm>> -> memref<128xi32, #tpu.memory_space<hbm>>
    %dma_wait3A_33 = tpu.memref_slice %arg3[%add3A_31] : memref<331776xi32, #tpu.memory_space<hbm>> -> memref<128xi32, #tpu.memory_space<hbm>>
    tpu.wait_dma2 semaphore(%arg18 : memref<!tpu.dma_semaphore, #tpu.memory_space<semaphore_mem>>) src(%dma_wait3A_33 : memref<128xi32, #tpu.memory_space<hbm>>) dst(%arg8 : memref<128xi32, #tpu.memory_space<vmem>>)
    %dma_wait3A_34 = tpu.memref_slice %arg4[%add3A_31] : memref<331776xi32, #tpu.memory_space<hbm>> -> memref<128xi32, #tpu.memory_space<hbm>>
    %dma_wait3A_35 = tpu.memref_slice %arg4[%add3A_31] : memref<331776xi32, #tpu.memory_space<hbm>> -> memref<128xi32, #tpu.memory_space<hbm>>
    tpu.wait_dma2 semaphore(%arg18 : memref<!tpu.dma_semaphore, #tpu.memory_space<semaphore_mem>>) src(%dma_wait3A_35 : memref<128xi32, #tpu.memory_space<hbm>>) dst(%arg11 : memref<128xi32, #tpu.memory_space<vmem>>)
    %dma_start3A_36 = arith.constant 0 : i32
    %dma_start3A_37 = arith.constant 0 : i32
    %dma_start3A_38 = tpu.memref_slice %arg2[%dma_start3A_36, %dma_start3A_37] : memref<40000x128xf32, #tpu.memory_space<hbm>> -> memref<40000x128xf32, #tpu.memory_space<hbm>>
    tpu.enqueue_indirect_dma source(%dma_start3A_38 : memref<40000x128xf32, #tpu.memory_space<hbm>>) target(%arg14 : memref<128x128xf32, #tpu.memory_space<vmem>>) offsets(%arg8 : memref<128xi32, #tpu.memory_space<vmem>>) semaphore(%arg21 : memref<!tpu.dma_semaphore, #tpu.memory_space<semaphore_mem>>)
    %barrier3A = arith.constant 0 : index
    tpu.barrier barrier_id(%barrier3A)
    %scan3A = arith.constant 0 : i32
    %scan3A_39 = arith.constant 27 : i32
    %scan3A_40 = arith.addi %scan3A, %scan3A_39 : i32
    %scan3A_41 = arith.constant 1 : i32
    scf.for %scan3A_44 = %scan3A to %scan3A_40 step %scan3A_41  : i32 {
      %mul3A_45 = arith.constant 3 : i32
      %mul3A_46 = arith.muli %scan3A_44, %mul3A_45 : i32
      %add3A_47 = arith.constant 0 : i32
      %add3A_48 = arith.addi %add3A_47, %mul3A_46 : i32
      %add3A_49 = arith.constant 0 : i32
      %add3A_50 = arith.addi %add3A_48, %add3A_49 : i32
      %dma_wait3A_51 = arith.constant 0 : i32
      %dma_wait3A_52 = arith.constant 0 : i32
      %dma_wait3A_53 = tpu.memref_slice %arg2[%dma_wait3A_51, %dma_wait3A_52] : memref<40000x128xf32, #tpu.memory_space<hbm>> -> memref<40000x128xf32, #tpu.memory_space<hbm>>
      tpu.wait_indirect_dma semaphore(%arg20 : memref<!tpu.dma_semaphore, #tpu.memory_space<semaphore_mem>>) src(%dma_wait3A_53 : memref<40000x128xf32, #tpu.memory_space<hbm>>) dst(%arg13 : memref<128x128xf32, #tpu.memory_space<vmem>>)
      "tpu.region"() ({
        %run_scoped3A = tpu.sem_alloc : memref<!tpu.dma_semaphore, #tpu.memory_space<semaphore_mem>>
        %dma_start3A_103 = arith.constant 0 : i32
        %dma_start3A_104 = arith.constant 0 : i32
        %dma_start3A_105 = tpu.memref_slice %arg16[%dma_start3A_103, %dma_start3A_104] : memref<10112x128xf32, #tpu.memory_space<vmem_shared>> -> memref<10112x128xf32, #tpu.memory_space<vmem_shared>>
        tpu.enqueue_indirect_dma source(%arg13 : memref<128x128xf32, #tpu.memory_space<vmem>>) target(%dma_start3A_105 : memref<10112x128xf32, #tpu.memory_space<vmem_shared>>) offsets(%arg10 : memref<128xi32, #tpu.memory_space<vmem>>) semaphore(%run_scoped3A : memref<!tpu.dma_semaphore, #tpu.memory_space<semaphore_mem>>) {add = true}
        %dma_wait3A_106 = arith.constant 0 : i32
        %dma_wait3A_107 = arith.constant 0 : i32
        %dma_wait3A_108 = tpu.memref_slice %arg16[%dma_wait3A_106, %dma_wait3A_107] : memref<10112x128xf32, #tpu.memory_space<vmem_shared>> -> memref<10112x128xf32, #tpu.memory_space<vmem_shared>>
        tpu.wait_indirect_dma semaphore(%run_scoped3A : memref<!tpu.dma_semaphore, #tpu.memory_space<semaphore_mem>>) src(%arg13 : memref<128x128xf32, #tpu.memory_space<vmem>>) dst(%dma_wait3A_108 : memref<10112x128xf32, #tpu.memory_space<vmem_shared>>)
        tpu.yield
      }) : () -> ()
      %add3A_54 = arith.constant 3 : i32
      %add3A_55 = arith.addi %add3A_50, %add3A_54 : i32
      %lt3A = arith.constant 81 : i32
      %lt3A_56 = arith.cmpi slt, %add3A_55, %lt3A : i32
      %convert_element_type3A = arith.extui %lt3A_56 : i1 to i32
      %cond3A = arith.constant 0 : i32
      %cond3A_57 = arith.cmpi ne, %convert_element_type3A, %cond3A : i32
      scf.if %cond3A_57 {
        %add3A_103 = arith.constant 3 : i32
        %add3A_104 = arith.addi %add3A_50, %add3A_103 : i32
        %mul3A_105 = arith.constant 128 : i32
        %mul3A_106 = arith.muli %add3A_104, %mul3A_105 : i32
        %add3A_107 = arith.addi %mul3A_2, %mul3A_106 : i32
        %dma_start3A_108 = tpu.memref_slice %arg3[%add3A_107] : memref<331776xi32, #tpu.memory_space<hbm>> -> memref<128xi32, #tpu.memory_space<hbm>>
        %dma_start3A_109 = tpu.memref_slice %arg3[%add3A_107] : memref<331776xi32, #tpu.memory_space<hbm>> -> memref<128xi32, #tpu.memory_space<hbm>>
        tpu.enqueue_dma source(%dma_start3A_109 : memref<128xi32, #tpu.memory_space<hbm>>) target(%arg7 : memref<128xi32, #tpu.memory_space<vmem>>) target_semaphore(%arg17 : memref<!tpu.dma_semaphore, #tpu.memory_space<semaphore_mem>>)
        %dma_start3A_110 = tpu.memref_slice %arg4[%add3A_107] : memref<331776xi32, #tpu.memory_space<hbm>> -> memref<128xi32, #tpu.memory_space<hbm>>
        %dma_start3A_111 = tpu.memref_slice %arg4[%add3A_107] : memref<331776xi32, #tpu.memory_space<hbm>> -> memref<128xi32, #tpu.memory_space<hbm>>
        tpu.enqueue_dma source(%dma_start3A_111 : memref<128xi32, #tpu.memory_space<hbm>>) target(%arg10 : memref<128xi32, #tpu.memory_space<vmem>>) target_semaphore(%arg17 : memref<!tpu.dma_semaphore, #tpu.memory_space<semaphore_mem>>)
      } else {
      }
      %add3A_58 = arith.constant 2 : i32
      %add3A_59 = arith.addi %add3A_50, %add3A_58 : i32
      %lt3A_60 = arith.constant 81 : i32
      %lt3A_61 = arith.cmpi slt, %add3A_59, %lt3A_60 : i32
      %convert_element_type3A_62 = arith.extui %lt3A_61 : i1 to i32
      %cond3A_63 = arith.constant 0 : i32
      %cond3A_64 = arith.cmpi ne, %convert_element_type3A_62, %cond3A_63 : i32
      scf.if %cond3A_64 {
        %add3A_103 = arith.constant 2 : i32
        %add3A_104 = arith.addi %add3A_50, %add3A_103 : i32
        %mul3A_105 = arith.constant 128 : i32
        %mul3A_106 = arith.muli %add3A_104, %mul3A_105 : i32
        %add3A_107 = arith.addi %mul3A_2, %mul3A_106 : i32
        %dma_wait3A_108 = tpu.memref_slice %arg3[%add3A_107] : memref<331776xi32, #tpu.memory_space<hbm>> -> memref<128xi32, #tpu.memory_space<hbm>>
        %dma_wait3A_109 = tpu.memref_slice %arg3[%add3A_107] : memref<331776xi32, #tpu.memory_space<hbm>> -> memref<128xi32, #tpu.memory_space<hbm>>
        tpu.wait_dma2 semaphore(%arg19 : memref<!tpu.dma_semaphore, #tpu.memory_space<semaphore_mem>>) src(%dma_wait3A_109 : memref<128xi32, #tpu.memory_space<hbm>>) dst(%arg9 : memref<128xi32, #tpu.memory_space<vmem>>)
        %dma_wait3A_110 = tpu.memref_slice %arg4[%add3A_107] : memref<331776xi32, #tpu.memory_space<hbm>> -> memref<128xi32, #tpu.memory_space<hbm>>
        %dma_wait3A_111 = tpu.memref_slice %arg4[%add3A_107] : memref<331776xi32, #tpu.memory_space<hbm>> -> memref<128xi32, #tpu.memory_space<hbm>>
        tpu.wait_dma2 semaphore(%arg19 : memref<!tpu.dma_semaphore, #tpu.memory_space<semaphore_mem>>) src(%dma_wait3A_111 : memref<128xi32, #tpu.memory_space<hbm>>) dst(%arg12 : memref<128xi32, #tpu.memory_space<vmem>>)
        %dma_start3A_112 = arith.constant 0 : i32
        %dma_start3A_113 = arith.constant 0 : i32
        %dma_start3A_114 = tpu.memref_slice %arg2[%dma_start3A_112, %dma_start3A_113] : memref<40000x128xf32, #tpu.memory_space<hbm>> -> memref<40000x128xf32, #tpu.memory_space<hbm>>
        tpu.enqueue_indirect_dma source(%dma_start3A_114 : memref<40000x128xf32, #tpu.memory_space<hbm>>) target(%arg15 : memref<128x128xf32, #tpu.memory_space<vmem>>) offsets(%arg9 : memref<128xi32, #tpu.memory_space<vmem>>) semaphore(%arg22 : memref<!tpu.dma_semaphore, #tpu.memory_space<semaphore_mem>>)
      } else {
      }
      %add3A_65 = arith.constant 1 : i32
      %add3A_66 = arith.addi %add3A_48, %add3A_65 : i32
      %dma_wait3A_67 = arith.constant 0 : i32
      %dma_wait3A_68 = arith.constant 0 : i32
      %dma_wait3A_69 = tpu.memref_slice %arg2[%dma_wait3A_67, %dma_wait3A_68] : memref<40000x128xf32, #tpu.memory_space<hbm>> -> memref<40000x128xf32, #tpu.memory_space<hbm>>
      tpu.wait_indirect_dma semaphore(%arg21 : memref<!tpu.dma_semaphore, #tpu.memory_space<semaphore_mem>>) src(%dma_wait3A_69 : memref<40000x128xf32, #tpu.memory_space<hbm>>) dst(%arg14 : memref<128x128xf32, #tpu.memory_space<vmem>>)
      "tpu.region"() ({
        %run_scoped3A = tpu.sem_alloc : memref<!tpu.dma_semaphore, #tpu.memory_space<semaphore_mem>>
        %dma_start3A_103 = arith.constant 0 : i32
        %dma_start3A_104 = arith.constant 0 : i32
        %dma_start3A_105 = tpu.memref_slice %arg16[%dma_start3A_103, %dma_start3A_104] : memref<10112x128xf32, #tpu.memory_space<vmem_shared>> -> memref<10112x128xf32, #tpu.memory_space<vmem_shared>>
        tpu.enqueue_indirect_dma source(%arg14 : memref<128x128xf32, #tpu.memory_space<vmem>>) target(%dma_start3A_105 : memref<10112x128xf32, #tpu.memory_space<vmem_shared>>) offsets(%arg11 : memref<128xi32, #tpu.memory_space<vmem>>) semaphore(%run_scoped3A : memref<!tpu.dma_semaphore, #tpu.memory_space<semaphore_mem>>) {add = true}
        %dma_wait3A_106 = arith.constant 0 : i32
        %dma_wait3A_107 = arith.constant 0 : i32
        %dma_wait3A_108 = tpu.memref_slice %arg16[%dma_wait3A_106, %dma_wait3A_107] : memref<10112x128xf32, #tpu.memory_space<vmem_shared>> -> memref<10112x128xf32, #tpu.memory_space<vmem_shared>>
        tpu.wait_indirect_dma semaphore(%run_scoped3A : memref<!tpu.dma_semaphore, #tpu.memory_space<semaphore_mem>>) src(%arg14 : memref<128x128xf32, #tpu.memory_space<vmem>>) dst(%dma_wait3A_108 : memref<10112x128xf32, #tpu.memory_space<vmem_shared>>)
        tpu.yield
      }) : () -> ()
      %add3A_70 = arith.constant 3 : i32
      %add3A_71 = arith.addi %add3A_66, %add3A_70 : i32
      %lt3A_72 = arith.constant 81 : i32
      %lt3A_73 = arith.cmpi slt, %add3A_71, %lt3A_72 : i32
      %convert_element_type3A_74 = arith.extui %lt3A_73 : i1 to i32
      %cond3A_75 = arith.constant 0 : i32
      %cond3A_76 = arith.cmpi ne, %convert_element_type3A_74, %cond3A_75 : i32
      scf.if %cond3A_76 {
        %add3A_103 = arith.constant 3 : i32
        %add3A_104 = arith.addi %add3A_66, %add3A_103 : i32
        %mul3A_105 = arith.constant 128 : i32
        %mul3A_106 = arith.muli %add3A_104, %mul3A_105 : i32
        %add3A_107 = arith.addi %mul3A_2, %mul3A_106 : i32
        %dma_start3A_108 = tpu.memref_slice %arg3[%add3A_107] : memref<331776xi32, #tpu.memory_space<hbm>> -> memref<128xi32, #tpu.memory_space<hbm>>
        %dma_start3A_109 = tpu.memref_slice %arg3[%add3A_107] : memref<331776xi32, #tpu.memory_space<hbm>> -> memref<128xi32, #tpu.memory_space<hbm>>
        tpu.enqueue_dma source(%dma_start3A_109 : memref<128xi32, #tpu.memory_space<hbm>>) target(%arg8 : memref<128xi32, #tpu.memory_space<vmem>>) target_semaphore(%arg18 : memref<!tpu.dma_semaphore, #tpu.memory_space<semaphore_mem>>)
        %dma_start3A_110 = tpu.memref_slice %arg4[%add3A_107] : memref<331776xi32, #tpu.memory_space<hbm>> -> memref<128xi32, #tpu.memory_space<hbm>>
        %dma_start3A_111 = tpu.memref_slice %arg4[%add3A_107] : memref<331776xi32, #tpu.memory_space<hbm>> -> memref<128xi32, #tpu.memory_space<hbm>>
        tpu.enqueue_dma source(%dma_start3A_111 : memref<128xi32, #tpu.memory_space<hbm>>) target(%arg11 : memref<128xi32, #tpu.memory_space<vmem>>) target_semaphore(%arg18 : memref<!tpu.dma_semaphore, #tpu.memory_space<semaphore_mem>>)
      } else {
      }
      %add3A_77 = arith.constant 2 : i32
      %add3A_78 = arith.addi %add3A_66, %add3A_77 : i32
      %lt3A_79 = arith.constant 81 : i32
      %lt3A_80 = arith.cmpi slt, %add3A_78, %lt3A_79 : i32
      %convert_element_type3A_81 = arith.extui %lt3A_80 : i1 to i32
      %cond3A_82 = arith.constant 0 : i32
      %cond3A_83 = arith.cmpi ne, %convert_element_type3A_81, %cond3A_82 : i32
      scf.if %cond3A_83 {
        %add3A_103 = arith.constant 2 : i32
        %add3A_104 = arith.addi %add3A_66, %add3A_103 : i32
        %mul3A_105 = arith.constant 128 : i32
        %mul3A_106 = arith.muli %add3A_104, %mul3A_105 : i32
        %add3A_107 = arith.addi %mul3A_2, %mul3A_106 : i32
        %dma_wait3A_108 = tpu.memref_slice %arg3[%add3A_107] : memref<331776xi32, #tpu.memory_space<hbm>> -> memref<128xi32, #tpu.memory_space<hbm>>
        %dma_wait3A_109 = tpu.memref_slice %arg3[%add3A_107] : memref<331776xi32, #tpu.memory_space<hbm>> -> memref<128xi32, #tpu.memory_space<hbm>>
        tpu.wait_dma2 semaphore(%arg17 : memref<!tpu.dma_semaphore, #tpu.memory_space<semaphore_mem>>) src(%dma_wait3A_109 : memref<128xi32, #tpu.memory_space<hbm>>) dst(%arg7 : memref<128xi32, #tpu.memory_space<vmem>>)
        %dma_wait3A_110 = tpu.memref_slice %arg4[%add3A_107] : memref<331776xi32, #tpu.memory_space<hbm>> -> memref<128xi32, #tpu.memory_space<hbm>>
        %dma_wait3A_111 = tpu.memref_slice %arg4[%add3A_107] : memref<331776xi32, #tpu.memory_space<hbm>> -> memref<128xi32, #tpu.memory_space<hbm>>
        tpu.wait_dma2 semaphore(%arg17 : memref<!tpu.dma_semaphore, #tpu.memory_space<semaphore_mem>>) src(%dma_wait3A_111 : memref<128xi32, #tpu.memory_space<hbm>>) dst(%arg10 : memref<128xi32, #tpu.memory_space<vmem>>)
        %dma_start3A_112 = arith.constant 0 : i32
        %dma_start3A_113 = arith.constant 0 : i32
        %dma_start3A_114 = tpu.memref_slice %arg2[%dma_start3A_112, %dma_start3A_113] : memref<40000x128xf32, #tpu.memory_space<hbm>> -> memref<40000x128xf32, #tpu.memory_space<hbm>>
        tpu.enqueue_indirect_dma source(%dma_start3A_114 : memref<40000x128xf32, #tpu.memory_space<hbm>>) target(%arg13 : memref<128x128xf32, #tpu.memory_space<vmem>>) offsets(%arg7 : memref<128xi32, #tpu.memory_space<vmem>>) semaphore(%arg20 : memref<!tpu.dma_semaphore, #tpu.memory_space<semaphore_mem>>)
      } else {
      }
      %add3A_84 = arith.constant 2 : i32
      %add3A_85 = arith.addi %add3A_48, %add3A_84 : i32
      %dma_wait3A_86 = arith.constant 0 : i32
      %dma_wait3A_87 = arith.constant 0 : i32
      %dma_wait3A_88 = tpu.memref_slice %arg2[%dma_wait3A_86, %dma_wait3A_87] : memref<40000x128xf32, #tpu.memory_space<hbm>> -> memref<40000x128xf32, #tpu.memory_space<hbm>>
      tpu.wait_indirect_dma semaphore(%arg22 : memref<!tpu.dma_semaphore, #tpu.memory_space<semaphore_mem>>) src(%dma_wait3A_88 : memref<40000x128xf32, #tpu.memory_space<hbm>>) dst(%arg15 : memref<128x128xf32, #tpu.memory_space<vmem>>)
      "tpu.region"() ({
        %run_scoped3A = tpu.sem_alloc : memref<!tpu.dma_semaphore, #tpu.memory_space<semaphore_mem>>
        %dma_start3A_103 = arith.constant 0 : i32
        %dma_start3A_104 = arith.constant 0 : i32
        %dma_start3A_105 = tpu.memref_slice %arg16[%dma_start3A_103, %dma_start3A_104] : memref<10112x128xf32, #tpu.memory_space<vmem_shared>> -> memref<10112x128xf32, #tpu.memory_space<vmem_shared>>
        tpu.enqueue_indirect_dma source(%arg15 : memref<128x128xf32, #tpu.memory_space<vmem>>) target(%dma_start3A_105 : memref<10112x128xf32, #tpu.memory_space<vmem_shared>>) offsets(%arg12 : memref<128xi32, #tpu.memory_space<vmem>>) semaphore(%run_scoped3A : memref<!tpu.dma_semaphore, #tpu.memory_space<semaphore_mem>>) {add = true}
        %dma_wait3A_106 = arith.constant 0 : i32
        %dma_wait3A_107 = arith.constant 0 : i32
        %dma_wait3A_108 = tpu.memref_slice %arg16[%dma_wait3A_106, %dma_wait3A_107] : memref<10112x128xf32, #tpu.memory_space<vmem_shared>> -> memref<10112x128xf32, #tpu.memory_space<vmem_shared>>
        tpu.wait_indirect_dma semaphore(%run_scoped3A : memref<!tpu.dma_semaphore, #tpu.memory_space<semaphore_mem>>) src(%arg15 : memref<128x128xf32, #tpu.memory_space<vmem>>) dst(%dma_wait3A_108 : memref<10112x128xf32, #tpu.memory_space<vmem_shared>>)
        tpu.yield
      }) : () -> ()
      %add3A_89 = arith.constant 3 : i32
      %add3A_90 = arith.addi %add3A_85, %add3A_89 : i32
      %lt3A_91 = arith.constant 81 : i32
      %lt3A_92 = arith.cmpi slt, %add3A_90, %lt3A_91 : i32
      %convert_element_type3A_93 = arith.extui %lt3A_92 : i1 to i32
      %cond3A_94 = arith.constant 0 : i32
      %cond3A_95 = arith.cmpi ne, %convert_element_type3A_93, %cond3A_94 : i32
      scf.if %cond3A_95 {
        %add3A_103 = arith.constant 3 : i32
        %add3A_104 = arith.addi %add3A_85, %add3A_103 : i32
        %mul3A_105 = arith.constant 128 : i32
        %mul3A_106 = arith.muli %add3A_104, %mul3A_105 : i32
        %add3A_107 = arith.addi %mul3A_2, %mul3A_106 : i32
        %dma_start3A_108 = tpu.memref_slice %arg3[%add3A_107] : memref<331776xi32, #tpu.memory_space<hbm>> -> memref<128xi32, #tpu.memory_space<hbm>>
        %dma_start3A_109 = tpu.memref_slice %arg3[%add3A_107] : memref<331776xi32, #tpu.memory_space<hbm>> -> memref<128xi32, #tpu.memory_space<hbm>>
        tpu.enqueue_dma source(%dma_start3A_109 : memref<128xi32, #tpu.memory_space<hbm>>) target(%arg9 : memref<128xi32, #tpu.memory_space<vmem>>) target_semaphore(%arg19 : memref<!tpu.dma_semaphore, #tpu.memory_space<semaphore_mem>>)
        %dma_start3A_110 = tpu.memref_slice %arg4[%add3A_107] : memref<331776xi32, #tpu.memory_space<hbm>> -> memref<128xi32, #tpu.memory_space<hbm>>
        %dma_start3A_111 = tpu.memref_slice %arg4[%add3A_107] : memref<331776xi32, #tpu.memory_space<hbm>> -> memref<128xi32, #tpu.memory_space<hbm>>
        tpu.enqueue_dma source(%dma_start3A_111 : memref<128xi32, #tpu.memory_space<hbm>>) target(%arg12 : memref<128xi32, #tpu.memory_space<vmem>>) target_semaphore(%arg19 : memref<!tpu.dma_semaphore, #tpu.memory_space<semaphore_mem>>)
      } else {
      }
      %add3A_96 = arith.constant 2 : i32
      %add3A_97 = arith.addi %add3A_85, %add3A_96 : i32
      %lt3A_98 = arith.constant 81 : i32
      %lt3A_99 = arith.cmpi slt, %add3A_97, %lt3A_98 : i32
      %convert_element_type3A_100 = arith.extui %lt3A_99 : i1 to i32
      %cond3A_101 = arith.constant 0 : i32
      %cond3A_102 = arith.cmpi ne, %convert_element_type3A_100, %cond3A_101 : i32
      scf.if %cond3A_102 {
        %add3A_103 = arith.constant 2 : i32
        %add3A_104 = arith.addi %add3A_85, %add3A_103 : i32
        %mul3A_105 = arith.constant 128 : i32
        %mul3A_106 = arith.muli %add3A_104, %mul3A_105 : i32
        %add3A_107 = arith.addi %mul3A_2, %mul3A_106 : i32
        %dma_wait3A_108 = tpu.memref_slice %arg3[%add3A_107] : memref<331776xi32, #tpu.memory_space<hbm>> -> memref<128xi32, #tpu.memory_space<hbm>>
        %dma_wait3A_109 = tpu.memref_slice %arg3[%add3A_107] : memref<331776xi32, #tpu.memory_space<hbm>> -> memref<128xi32, #tpu.memory_space<hbm>>
        tpu.wait_dma2 semaphore(%arg18 : memref<!tpu.dma_semaphore, #tpu.memory_space<semaphore_mem>>) src(%dma_wait3A_109 : memref<128xi32, #tpu.memory_space<hbm>>) dst(%arg8 : memref<128xi32, #tpu.memory_space<vmem>>)
        %dma_wait3A_110 = tpu.memref_slice %arg4[%add3A_107] : memref<331776xi32, #tpu.memory_space<hbm>> -> memref<128xi32, #tpu.memory_space<hbm>>
        %dma_wait3A_111 = tpu.memref_slice %arg4[%add3A_107] : memref<331776xi32, #tpu.memory_space<hbm>> -> memref<128xi32, #tpu.memory_space<hbm>>
        tpu.wait_dma2 semaphore(%arg18 : memref<!tpu.dma_semaphore, #tpu.memory_space<semaphore_mem>>) src(%dma_wait3A_111 : memref<128xi32, #tpu.memory_space<hbm>>) dst(%arg11 : memref<128xi32, #tpu.memory_space<vmem>>)
        %dma_start3A_112 = arith.constant 0 : i32
        %dma_start3A_113 = arith.constant 0 : i32
        %dma_start3A_114 = tpu.memref_slice %arg2[%dma_start3A_112, %dma_start3A_113] : memref<40000x128xf32, #tpu.memory_space<hbm>> -> memref<40000x128xf32, #tpu.memory_space<hbm>>
        tpu.enqueue_indirect_dma source(%dma_start3A_114 : memref<40000x128xf32, #tpu.memory_space<hbm>>) target(%arg14 : memref<128x128xf32, #tpu.memory_space<vmem>>) offsets(%arg8 : memref<128xi32, #tpu.memory_space<vmem>>) semaphore(%arg21 : memref<!tpu.dma_semaphore, #tpu.memory_space<semaphore_mem>>)
      } else {
      }
    }
    %scan3A_42 = arith.constant 27 : i32
    %barrier3A_43 = arith.constant 0 : index
    tpu.barrier barrier_id(%barrier3A_43)
    "tpu.region"() ({
      %run_scoped3A = tpu.sem_alloc : memref<!tpu.dma_semaphore, #tpu.memory_space<semaphore_mem>>
      %dma_start3A_44 = arith.constant 0 : i32
      %dma_start3A_45 = tpu.memref_slice %arg6[%arg0, %mul3A_4, %dma_start3A_44] : memref<2x10112x128xf32, #tpu.memory_space<hbm>> -> memref<1x632x128xf32, #tpu.memory_space<hbm>>
      %dma_start3A_46 = tpu.memref_squeeze %dma_start3A_45 : memref<1x632x128xf32, #tpu.memory_space<hbm>> -> memref<632x128xf32, #tpu.memory_space<hbm>>
      %dma_start3A_47 = arith.constant 0 : i32
      %dma_start3A_48 = tpu.memref_slice %arg16[%mul3A_4, %dma_start3A_47] : memref<10112x128xf32, #tpu.memory_space<vmem_shared>> -> memref<632x128xf32, #tpu.memory_space<vmem_shared>>
      tpu.enqueue_dma source(%dma_start3A_48 : memref<632x128xf32, #tpu.memory_space<vmem_shared>>) target(%dma_start3A_46 : memref<632x128xf32, #tpu.memory_space<hbm>>) target_semaphore(%run_scoped3A : memref<!tpu.dma_semaphore, #tpu.memory_space<semaphore_mem>>)
      %dma_wait3A_49 = arith.constant 0 : i32
      %dma_wait3A_50 = tpu.memref_slice %arg6[%arg0, %mul3A_4, %dma_wait3A_49] : memref<2x10112x128xf32, #tpu.memory_space<hbm>> -> memref<1x632x128xf32, #tpu.memory_space<hbm>>
      %dma_wait3A_51 = tpu.memref_squeeze %dma_wait3A_50 : memref<1x632x128xf32, #tpu.memory_space<hbm>> -> memref<632x128xf32, #tpu.memory_space<hbm>>
      %dma_wait3A_52 = arith.constant 0 : i32
      %dma_wait3A_53 = tpu.memref_slice %arg16[%mul3A_4, %dma_wait3A_52] : memref<10112x128xf32, #tpu.memory_space<vmem_shared>> -> memref<632x128xf32, #tpu.memory_space<vmem_shared>>
      tpu.wait_dma2 semaphore(%run_scoped3A : memref<!tpu.dma_semaphore, #tpu.memory_space<semaphore_mem>>) src(%dma_wait3A_53 : memref<632x128xf32, #tpu.memory_space<vmem_shared>>) dst(%dma_wait3A_51 : memref<632x128xf32, #tpu.memory_space<hbm>>)
      tpu.yield
    }) : () -> ()
    return
  }
}

module attributes {stable_mosaic.version = 14 : i64} {
  func.func @_transform_body(%arg0: i32, %arg1: i32, %arg2: memref<1000x128xf32, #tpu.memory_space<vmem>>, %arg3: memref<128x128xf32, #tpu.memory_space<vmem>>, %arg4: memref<1x128xf32, #tpu.memory_space<vmem>>, %arg5: memref<1000x128xf32, #tpu.memory_space<vmem>>) attributes {dimension_semantics = [#tpu.dimension_semantics<arbitrary>, #tpu.dimension_semantics<arbitrary>], iteration_bounds = array<i64: 10, 4>, scalar_prefetch = 0 : i64, scratch_operands = 0 : i64, tpu.core_type = #tpu.core_type<tc>, window_params = [{transform_indices = @transform_0, window_bounds = array<i64: 1000, 128>}, {transform_indices = @transform_1, window_bounds = array<i64: 128, 128>}, {transform_indices = @transform_2, window_bounds = array<i64: 1, 128>}, {transform_indices = @transform_3, window_bounds = array<i64: 1000, 128>}]} {
    %get3A = arith.constant 0 : index
    %get3A_0 = arith.constant 0 : index
    %get3A_1 = vector.load %arg2[%get3A, %get3A_0] : memref<1000x128xf32, #tpu.memory_space<vmem>>, vector<1000x128xf32>
    %get3A_2 = arith.constant 0 : index
    %get3A_3 = arith.constant 0 : index
    %get3A_4 = vector.load %arg3[%get3A_2, %get3A_3] : memref<128x128xf32, #tpu.memory_space<vmem>>, vector<128x128xf32>
    %dot_general3A = arith.constant dense<0.000000e+00> : vector<1000x128xf32>
    %dot_general3A_5 = tpu.matmul %get3A_1, %get3A_4, %dot_general3A {dimension_numbers = #tpu.dot_dimension_numbers<[1], [0], [0], [1], [0, 0, 1, 1], [], []>, transpose_lhs_hint = false} : vector<1000x128xf32>, vector<128x128xf32>, vector<1000x128xf32> -> vector<1000x128xf32>
    %get3A_6 = arith.constant 0 : index
    %get3A_7 = arith.constant 0 : index
    %get3A_8 = vector.load %arg4[%get3A_6, %get3A_7] : memref<1x128xf32, #tpu.memory_space<vmem>>, vector<1x128xf32>
    %add3A = vector.broadcast %get3A_8 : vector<1x128xf32> to vector<1000x128xf32>
    %add3A_9 = arith.addf %dot_general3A_5, %add3A : vector<1000x128xf32>
    %swap3A = arith.constant 0 : index
    %swap3A_10 = arith.constant 0 : index
    %swap3A_11 = vector.load %arg5[%swap3A, %swap3A_10] : memref<1000x128xf32, #tpu.memory_space<vmem>>, vector<1000x128xf32>
    tpu.vector_store %arg5[%swap3A, %swap3A_10], %add3A_9 {strides = array<i32>} : memref<1000x128xf32, #tpu.memory_space<vmem>>, vector<1000x128xf32>,
    return
  }
  func.func @transform_0(%arg0: i32, %arg1: i32) -> (i32, i32) {
    %c0_i32 = arith.constant 0 : i32
    %c0_i32_0 = arith.constant 0 : i32
    return %arg0, %c0_i32 : i32, i32
  }
  func.func @transform_1(%arg0: i32, %arg1: i32) -> (i32, i32) {
    %c0_i32 = arith.constant 0 : i32
    %c0_i32_0 = arith.constant 0 : i32
    return %c0_i32, %arg1 : i32, i32
  }
  func.func @transform_2(%arg0: i32, %arg1: i32) -> (i32, i32) {
    %c0_i32 = arith.constant 0 : i32
    %c0_i32_0 = arith.constant 0 : i32
    return %c0_i32, %arg1 : i32, i32
  }
  func.func @transform_3(%arg0: i32, %arg1: i32) -> (i32, i32) {
    %mul3A = arith.constant 10 : i32
    %mul3A_0 = arith.muli %arg1, %mul3A : i32
    %add3A = arith.addi %mul3A_0, %arg0 : i32
    %c0_i32 = arith.constant 0 : i32
    %c0_i32_1 = arith.constant 0 : i32
    return %add3A, %c0_i32 : i32, i32
  }
}

module attributes {stable_mosaic.version = 14 : i64} {
  func.func @_combine_body(%arg0: i32, %arg1: memref<1000x128xf32, #tpu.memory_space<vmem>>, %arg2: memref<2x1000x128xf32, #tpu.memory_space<vmem>>, %arg3: memref<1000x128xf32, #tpu.memory_space<vmem>>) attributes {dimension_semantics = [#tpu.dimension_semantics<arbitrary>], iteration_bounds = array<i64: 10>, scalar_prefetch = 0 : i64, scratch_operands = 0 : i64, tpu.core_type = #tpu.core_type<tc>, window_params = [{transform_indices = @transform_0, window_bounds = array<i64: 1000, 128>}, {transform_indices = @transform_1, window_bounds = array<i64: 2, 1000, 128>}, {transform_indices = @transform_2, window_bounds = array<i64: 1000, 128>}]} {
    %get3A = arith.constant 0 : index
    %get3A_0 = arith.constant 0 : index
    %get3A_1 = vector.load %arg1[%get3A, %get3A_0] : memref<1000x128xf32, #tpu.memory_space<vmem>>, vector<1000x128xf32>
    %get3A_2 = arith.constant 0 : index
    %get3A_3 = arith.constant 0 : index
    %get3A_4 = arith.constant 0 : index
    %get3A_5 = vector.load %arg2[%get3A_2, %get3A_3, %get3A_4] : memref<2x1000x128xf32, #tpu.memory_space<vmem>>, vector<1x1000x128xf32>
    %get3A_6 = vector.shape_cast %get3A_5 : vector<1x1000x128xf32> to vector<1000x128xf32>
    %add3A = arith.addf %get3A_1, %get3A_6 : vector<1000x128xf32>
    %get3A_7 = arith.constant 1 : index
    %get3A_8 = arith.constant 0 : index
    %get3A_9 = arith.constant 0 : index
    %get3A_10 = vector.load %arg2[%get3A_7, %get3A_8, %get3A_9] : memref<2x1000x128xf32, #tpu.memory_space<vmem>>, vector<1x1000x128xf32>
    %get3A_11 = vector.shape_cast %get3A_10 : vector<1x1000x128xf32> to vector<1000x128xf32>
    %add3A_12 = arith.addf %add3A, %get3A_11 : vector<1000x128xf32>
    %max3A = arith.constant 0.000000e+00 : f32
    %max3A_13 = vector.broadcast %max3A : f32 to vector<1000x128xf32>
    %max3A_14 = arith.maximumf %add3A_12, %max3A_13 : vector<1000x128xf32>
    %swap3A = arith.constant 0 : index
    %swap3A_15 = arith.constant 0 : index
    %swap3A_16 = vector.load %arg3[%swap3A, %swap3A_15] : memref<1000x128xf32, #tpu.memory_space<vmem>>, vector<1000x128xf32>
    tpu.vector_store %arg3[%swap3A, %swap3A_15], %max3A_14 {strides = array<i32>} : memref<1000x128xf32, #tpu.memory_space<vmem>>, vector<1000x128xf32>,
    return
  }
  func.func @transform_0(%arg0: i32) -> (i32, i32) {
    %add3A = arith.constant 30 : i32
    %add3A_0 = arith.addi %add3A, %arg0 : i32
    %c0_i32 = arith.constant 0 : i32
    %c0_i32_1 = arith.constant 0 : i32
    return %add3A_0, %c0_i32 : i32, i32
  }
  func.func @transform_1(%arg0: i32) -> (i32, i32, i32) {
    %c0_i32 = arith.constant 0 : i32
    %c0_i32_0 = arith.constant 0 : i32
    %c0_i32_1 = arith.constant 0 : i32
    return %c0_i32, %arg0, %c0_i32_0 : i32, i32, i32
  }
  func.func @transform_2(%arg0: i32) -> (i32, i32) {
    %c0_i32 = arith.constant 0 : i32
    %c0_i32_0 = arith.constant 0 : i32
    return %arg0, %c0_i32 : i32, i32
  }
}

</mosaic_0001>

<sc_bundles>
// kernel: kernel.5.cloned.1.call-start
scs
__scs_entry_jumppad:
0x0: {  	(pc) =	sbr.rel $0x88, $3  }
0x1: {  	(tag) =	ssettag $0x0;
	lr =	simm.s32 $0x1  }
0x2: {  	[smem:$0x3F99] =	sst lr;
	_ =	strace $0xD0000000  }
0x3: {  	_ = 	snop  }
0x4: {  	_ = 	snop  }
0x5: {  	_ = 	snop  }
0x6: {  	_ = 	snop  }
0x7: {  	_ = 	snop  }
__scs_overlays_trampoline_lowered:
0x8: {  	[smem:$0x3FA8] =	sst s0  }
0x9: {  	[smem:$0x3FA9] =	sst s1  }
0xa: {  	[smem:$0x3FAA] =	sst s2  }
0xb: {  	[smem:$0x3FAB] =	sst s3  }
0xc: {  	[smem:$0x3FAC] =	sst s4  }
0xd: {  	[smem:$0x3FAD] =	sst s5  }
0xe: {  	[smem:$0x3FAE] =	sst s6  }
0xf: {  	[smem:$0x3FAF] =	sst s7  }
0x10: {  	[smem:$0x3FB0] =	sst s8  }
0x11: {  	[smem:$0x3FB1] =	sst s9;
	s0 =	simm.s32 @!p0 $0x0  }
0x12: {  	s1 =	sld [smem:$0x3F97];
	s0 =	simm.s32 @p0 $0x1  }
0x13: {  	[smem:$0x3FB2] =	sst s0;
	s0 =	simm.s32 @!p1 $0x0  }
0x14: {  	s2 =	sld [smem:$0x3F96];
	s0 =	simm.s32 @p1 $0x1  }
0x15: {  	[smem:$0x3FB3] =	sst s0;
	s0 =	simm.s32 @!p2 $0x0  }
0x16: {  	s3 =	sld [smem:$0x3FDB];
	s0 =	simm.s32 @p2 $0x1  }
0x17: {  	s4 =	simm.s32 $0x1BF5;
	[smem:$0x3FB5] =	sst s0  }
0x18: {  	s0 =	sld [smem:$0x3F98];
	_ =	swait.ge [sflag:s4], $0x0  }
0x19: {  	s7 =	sld [smem:$0x3F99]  }
0x1a: {  	s8 =	sadd.s32 $0xFFFFE003, lr  }
0x1b: {  	s9 =	sadd.s32 $0xFFFFFEF7, lr;
	s5 =	simm.s32 $0xFFFFFFFF;
	p2 =	slt.u32 s8, $0xFFFFF086  }
0x1c: {  	p1 =	slt.u32 s9, $0xF7A;
	s5 =	simm.s32 @!p2 $0x0  }
0x1d: {  	s5 =	simm.s32 @p1 $0x1;
	p0 =	seq.s32 s7, s2  }
0x1e: {  	s7 =	smul.u32 @!p0 $0xF7A, s2;
	p2 =	seq.s32 @!p0 s5, $0x0  }
0x1f: {  	s9 =	smul.u32 $0xF7A, s1;
	s8 =	simm.s32 @!p0 $0x1BF5;
	p2 =	por !p2, p0  }
0x20: {  	[sflag:s8] =	ssyncset.s32 @!p0 $0xFFFFF086;
	s6 =	sadd.s32 @!p0 s3, s7;
	s7 =	simm.s32 @!p0 $0x108  }
0x21: {  	s3 =	sadd.s32 s3, s9;
	s6 =	sadd.s32 @!p0 $0x88, s6;
	s7 =	simm.s32 @p2 $0x1082  }
0x22: {  	[simem:s7], [sflag:s8] =	dma.local @!p0 [hbm:s6], $0xF7A  }
0x23: {  	s9 =	sor.u32 $0xD0000000, s2;
	s6 =	simm.s32 $0x108;
	_ =	swait.ge @!p0 [sflag:s8], $0x0  }
0x24: {  	s3 =	sadd.s32 $0x88, s3;
	s6 =	simm.s32 @!p1 $0x1082;
	[sflag:s4] =	ssyncset.s32 $0xFFFFF086  }
0x25: {  	[simem:s6], [sflag:s4] =	dma.local [hbm:s3], $0xF7A  }
0x26: {  	[smem:$0x3F99] =	sst s1;
	(tag) =	ssettag s2;
	_ =	strace s9  }
0x27: {  	s1 =	sld [smem:$0x3FA9]  }
0x28: {  	s2 =	sld [smem:$0x3FAA]  }
0x29: {  	s4 =	sld [smem:$0x3FAC]  }
0x2a: {  	p0 =	seq.s32 s5, $0x0;
	s5 =	sld [smem:$0x3FAD]  }
0x2b: {  	s6 =	sld [smem:$0x3FAE]  }
0x2c: {  	s7 =	sld [smem:$0x3FAF]  }
0x2d: {  	s3 =	simm.s32 $0x108;
	s8 =	sld [smem:$0x3FB0]  }
0x2e: {  	s3 =	simm.s32 @!p0 $0x1082;
	s9 =	sld [smem:$0x3FB1]  }
0x2f: {  	lr =	sadd.s32 s0, s3;
	s0 =	sld [smem:$0x3FA8]  }
0x30: {  	s3 =	sld [smem:$0x3FAB]  }
0x31: {  	[smem:$0x3FB4] =	sst s10  }
0x32: {  	s10 =	sld [smem:$0x3FB2];
	_ =	sdelay $0x3  }
0x33: {  	p0 =	seq.s32 s10, $0x1;
	s10 =	sld [smem:$0x3FB4];
	_ =	sdelay $0x3  }
0x34: {  	[smem:$0x3FB4] =	sst s10  }
0x35: {  	s10 =	sld [smem:$0x3FB3];
	_ =	sdelay $0x3  }
0x36: {  	p1 =	seq.s32 s10, $0x1;
	s10 =	sld [smem:$0x3FB4];
	_ =	sdelay $0x3  }
0x37: {  	[smem:$0x3FB4] =	sst s10  }
0x38: {  	s10 =	sld [smem:$0x3FB5]  }
0x39: {  	_ = 	snop;
	(pc) =	sbr.ind lr, $3  }
0x3a: {  	_ = 	snop  }
0x3b: {  	_ = 	snop  }
0x3c: {  	p2 =	seq.s32 s10, $0x1;
	s10 =	sld [smem:$0x3FB4]  }
0x3d: {  	_ =	shalt  }
0x3e: {  	_ =	shalt  }
0x3f: {  	_ =	shalt  }
0x40: {  	_ =	shalt  }
0x41: {  	_ =	shalt  }
0x42: {  	_ =	shalt  }
0x43: {  	_ =	shalt  }
0x44: {  	_ =	shalt  }
0x45: {  	_ =	shalt  }
0x46: {  	_ =	shalt  }
0x47: {  	_ =	shalt  }
0x48: {  	_ =	shalt  }
0x49: {  	_ =	shalt  }
0x4a: {  	_ =	shalt  }
0x4b: {  	_ =	shalt  }
0x4c: {  	_ =	shalt  }
0x4d: {  	_ =	shalt  }
0x4e: {  	_ =	shalt  }
0x4f: {  	_ =	shalt  }
0x50: {  	_ =	shalt  }
0x51: {  	_ =	shalt  }
0x52: {  	_ =	shalt  }
0x53: {  	_ =	shalt  }
0x54: {  	_ =	shalt  }
0x55: {  	_ =	shalt  }
0x56: {  	_ =	shalt  }
0x57: {  	_ =	shalt  }
0x58: {  	_ =	shalt  }
0x59: {  	_ =	shalt  }
0x5a: {  	_ =	shalt  }
0x5b: {  	_ =	shalt  }
0x5c: {  	_ =	shalt  }
0x5d: {  	_ =	shalt  }
0x5e: {  	_ =	shalt  }
0x5f: {  	_ =	shalt  }
0x60: {  	_ =	shalt  }
0x61: {  	_ =	shalt  }
0x62: {  	_ =	shalt  }
0x63: {  	_ =	shalt  }
0x64: {  	_ =	shalt  }
0x65: {  	_ =	shalt  }
0x66: {  	_ =	shalt  }
0x67: {  	_ =	shalt  }
0x68: {  	_ =	shalt  }
0x69: {  	_ =	shalt  }
0x6a: {  	_ =	shalt  }
0x6b: {  	_ =	shalt  }
0x6c: {  	_ =	shalt  }
0x6d: {  	_ =	shalt  }
0x6e: {  	_ =	shalt  }
0x6f: {  	_ =	shalt  }
0x70: {  	_ =	shalt  }
0x71: {  	_ =	shalt  }
0x72: {  	_ =	shalt  }
0x73: {  	_ =	shalt  }
0x74: {  	_ =	shalt  }
0x75: {  	_ =	shalt  }
0x76: {  	_ =	shalt  }
0x77: {  	_ =	shalt  }
0x78: {  	_ =	shalt  }
0x79: {  	_ =	shalt  }
0x7a: {  	_ =	shalt  }
0x7b: {  	_ =	shalt  }
0x7c: {  	_ =	shalt  }
0x7d: {  	_ =	shalt  }
0x7e: {  	_ =	shalt  }
0x7f: {  	_ =	shalt  }
0x80: {  	_ =	shalt  }
0x81: {  	_ =	shalt  }
0x82: {  	_ =	shalt  }
0x83: {  	_ =	shalt  }
0x84: {  	_ =	shalt  }
0x85: {  	_ =	shalt  }
0x86: {  	_ =	shalt  }
0x87: {  	_ =	shalt  }
.Lfunc_end0:
.L_simem_size_0:
called_computation_lowered:
.L_overlay_start_0:
0x88: {  	s2 =	sld [smem:$0x3FD9]  }
0x89: {  	s3 =	sld [smem:$0x3FFE];
	_ =	sdelay $0x1  }
0x8a: {  	s1 =	srdreg.scid  }
0x8b: {  	s0 =	sand.u32 $0x1, s1  }
0x8c: {  	s17 =	sshll.u32 s0, $0xA;
	s2 =	sadd.s32 s3, s2  }
0x8d: {  	s2 =	sadd.s32 s2, s17  }
0x8e: {  	[smem:$0x3FC0] =	sst s2  }
0x8f: {  	_ = 	snop  }
0x90: {  	s2 =	sld [smem:$0x3FD0];
	(tm) =	ssettm $0x1  }
0x91: {  	s18 =	sld [smem:$0x3FFB];
	_ =	sdelay $0x3  }
0x92: {  	_ =	strace s18  }
0x93: {  	s3 =	sld [smem:$0x3FFC];
	_ =	sdelay $0x3  }
0x94: {  	_ =	strace s3  }
0x95: {  	s3 =	sld [smem:$0x3FFD];
	_ =	sdelay $0x3  }
0x96: {  	_ =	strace s3  }
0x97: {  	_ =	strace $0x8FFFFFFF  }
0x98: {  	s19 =	sld [smem:$0x3FDB];
	_ =	sdelay $0x1  }
0x99: {  	s4 =	simm.s32 $_scs_section_size  }
0x9a: {  	s5 =	simm.s32 $_size__tile_overlayer_lowered;
	s6 =	simm.s32 $_tile_overlayer_lowered  }
0x9b: {  	s22 =	simm.s32 $0x1BFF;
	s21 =	sshll.u32 s6, $0x1;
	s3 =	sadd.s32 s4, s19  }
0x9c: {  	s7 =	simm.s32 $0x0;
	s20 =	sshll.u32 s5, $0x1;
	s5 =	sadd.s32 s21, s3  }
0x9d: {  	[timem:s7], [sflag:s22] =	dma.local [hbm:s5], s20  }
0x9e: {  	_ =	swait.ge [sflag:s22], s20  }
0x9f: {  	s4 =	ssub.s32 $0x0, s20;
	[sflag:s22] =	ssyncset.done $0x0  }
0xa0: {  	[sflag:s22] =	ssyncadd.s32 s4;
	_ =	sdelay $0x1  }
0xa1: {  	s23 =	simm.s32 $0x1B8B  }
0xa2: {  	_ =	swait.ge [sflag:s23], $0x1  }
0xa3: {  	[sflag:s23] =	ssyncset.done $0x0  }
0xa4: {  	s25 =	simm.s32 $0x1B8E;
	s24 =	sld [smem:$0x3FFE];
	[sflag:s23] =	ssyncadd.s32 $0xFFFFFFFF  }
0xa5: {  	s26 =	simm.s32 $execute0_lowered;
	[smem:$0x3FD2] =	sst s25  }
0xa6: {  	s5 =	sshll.u32 s26, $0x1;
	_ =	strace $0x80000046;
	[dreg:$0x1] =	wrdreg $0xFFFFFFFF  }
0xa7: {  	s28 =	simm.s32 $_size_execute0_lowered;
	s3 =	sadd.s32 s3, s5;
	[dreg:$0x0] =	wrdreg $0x0  }
0xa8: {  	s5 =	sshll.u32 s28, $0x1;
	[dreg:$0x2] =	wrdreg s3  }
0xa9: {  	[dreg:$0x3] =	wrdreg s5  }
0xaa: {  	[dreg:$0x4] =	wrdreg $0xC0  }
0xab: {  	_ =	task [dreg:s7], $0x5FFFF  }
0xac: {  	[dreg:$0x1] =	wrdreg $0xFFFFFFFF  }
0xad: {  	[dreg:$0x0] =	wrdreg $0x60  }
0xae: {  	[dreg:$0x2] =	wrdreg s24  }
0xaf: {  	[dreg:$0x3] =	wrdreg s2  }
0xb0: {  	[dreg:$0x4] =	wrdreg $0xC3000  }
0xb1: {  	[dreg:$0x5] =	wrdreg $0x9  }
0xb2: {  	_ =	task.clear_ibuf [dreg:s7], $0x6FFFF;
	_ =	strace $0x90000046  }
0xb3: {  	s29 =	simm.s32 $0x9;
	_ =	strace $0x80000048  }
0xb4: {  	_ =	swait.ge [sflag:s29], $0x1  }
0xb5: {  	[sflag:s29] =	ssyncadd.s32 $0xFFFFFFFF  }
0xb6: {  	_ =	strace $0x90000048  }
0xb7: {  	_ =	sfence  }
0xb8: {  	s30 =	sld [smem:$0x0];
	_ =	sdelay $0x2  }
0xb9: {  	s31 =	sshll.u32 s1, $0xD;
	s1 =	sshrl.u32 s1, $0x2  }
0xba: {  	s3 =	sand.u32 $0x4000, s31;
	s1 =	sadd.s32 s1, s30  }
0xbb: {  	s0 =	sor.u32 s3, s0;
	s1 =	sshll.u32 s1, $0x11  }
0xbc: {  	s0 =	sor.u32 s1, s0  }
0xbd: {  	s0 =	sadd.s32 $0x8F2B, s0  }
0xbe: {  	[sflag:s0] =	ssyncadd.remote.s32 $0x1  }
0xbf: {  	_ =	sfence.sel $0xFFFF  }
0xc0: {  	[dreg:$0x0] =	wrdreg $0xFFFFFFFF;
	(pc) =	sbr.abs _section_cstart, $3  }
0xc1: {  	[dreg:$0x1] =	wrdreg $0xFFFFFFFF  }
0xc2: {  	_ =	task.clear_ibuf [dreg:s7], $0x2FFFF;
	_ =	strace $0x9FFFFFFF  }
0xc3: {  	(tm) =	ssettm $0x7FFFFFFF  }
tec
execute0_lowered:
.L_overlay_start_1:
0x0: {  	(tag) =	ssettag $0x1  }
0x1: {  	s0 =	rddreg [dreg:$0x0]  }
0x2: {  	s2 =	rddreg [dreg:$0x1]  }
0x3: {  	s3 =	rddreg [dreg:$0x2];
	s13 =	stileid.u32  }
0x4: {  	s4 =	simm.s32 $0x0;
	s5 =	srdreg.scid;
	s28 =	simm.s32 $0x100  }
0x5: {  	s29 =	simm.s32 $0x280;
	s30 =	simm.s32 $0x1;
	s1 =	smul.u32 $0x13C00, s13  }
0x6: {  	s31 =	simm.s32 $0x300;
	[smem:$0x7FF] =	sst s4;
	s10 =	smul.u32 $0x4F000, s13  }
0x7: {  	s7 =	sand.u32 $0x1, s5;
	s5 =	sadd.s32 $0x600, s0;
	s19 =	smul.u32 $0x2880, s13  }
0x8: {  	s6 =	sadd.s32 $0x9CA00, s0;
	_ =	strace $0x80000047;
	s9 =	smul.u32 $0x13C000, s7  }
0x9: {  	s25 =	sshll.u32 s7, $0x4;
	s11 =	ssub.s32 $0x2, s7;
	s7 =	smul.u32 $0x28800, s7  }
0xa: {  	s8 =	sshrl.u32 s1, $0x3;
	s12 =	sshrl.u32 s11, $0x1;
	s10 =	sshrl.u32 s10, $0x2  }
0xb: {  	s8 =	sadd.s32 s8, s0;
	s1 =	sadd.s32 s1, s9;
	s9 =	sor.u32 s13, s25  }
0xc: {  	s26 =	ssub.s32 s11, s12;
	s10 =	sadd.s32 s10, s3;
	s12 =	sshll.u32 s13, $0x6  }
0xd: {  	s7 =	sadd.s32 s19, s7;
	s11 =	simm.s32 $0x5;
	s13 =	simm.s32 $0x0  }
0xe: {  	s1 =	sshrl.u32 s1, $0x3;
	s9 =	smul.u32 $0x2880, s9;
	[dreg:$0x4] =	wrdreg s10  }
0xf: {  	s8 =	sadd.s32 $0xA6C00, s8;
	s15 =	sor.u32 $0x1C07, s12;
	s23 =	sadd.s32 $0x280, s7  }
0x10: {  	s24 =	sadd.s32 $0x200, s7;
	s10 =	simm.s32 $0x8300;
	s12 =	simm.s32 $0x6  }
0x11: {  	s0 =	sadd.s32 s1, s0;
	[dreg:$0x5] =	wrdreg s8;
	s1 =	smax.u32 s26, $0x1  }
0x12: {  	s25 =	sshrl.u32 s24, $0x3;
	s26 =	sadd.s32 $0x180, s7;
	[dreg:$0x6] =	wrdreg s15  }
0x13: {  	s24 =	simm.s32 $0x180;
	s7 =	simm.s32 $0x4;
	[dreg:$0xe] =	wrdreg s1  }
0x14: {  	s14 =	sshrl.u32 s9, $0x3;
	s0 =	sadd.s32 $0xCE400, s0;
	[dreg:$0xf] =	wrdreg s26  }
0x15: {  	s26 =	simm.s32 $0x200;
	s1 =	simm.s32 $0x4300;
	s16 =	sadd.s32 s2, s14  }
0x16: {  	s17 =	sadd.s32 s6, s14;
	s18 =	sadd.s32 $0x10, s14;
	[dreg:$0xd] =	wrdreg s0  }
0x17: {  	s21 =	sadd.s32 $0x20, s14;
	s0 =	sshrl.u32 s23, $0x3;
	[dreg:$0x7] =	wrdreg s16  }
0x18: {  	s23 =	simm.s32 $0x7;
	[dreg:$0x8] =	wrdreg s17;
	s20 =	sadd.s32 s2, s18  }
.Ltmp0:
0x19: {  	s8 =	sadd.s32 s6, s18;
	[dreg:$0x9] =	wrdreg s20;
	(pc) =	sbr.rel .LBB2_1-.Ltmp0, $4  }
0x1a: {  	s22 =	sadd.s32 s2, s21;
	s18 =	sadd.s32 s0, s6;
	[dreg:$0xa] =	wrdreg s8  }
0x1b: {  	s19 =	sadd.s32 s0, s2;
	s0 =	simm.s32 $0x2;
	[dreg:$0xb] =	wrdreg s22  }
0x1c: {  	s8 =	sadd.s32 s6, s21;
	s20 =	sadd.s32 s25, s6;
	s21 =	sadd.s32 s25, s2  }
0x1d: {  	s25 =	simm.s32 $0x80;
	[dreg:$0xc] =	wrdreg s8;
	s8 =	simm.s32 $0x3  }
.LBB2_4:
0x1e: {  	_ =	swait.ge [sflag:s12], $0x4000  }
0x1f: {  	[sflag:s12] =	ssyncset.done $0x0  }
0x20: {  	[sflag:s12] =	ssyncadd.s32 $0xFFFFC000  }
0x21: {  	[spmem:s3] =	stream.indirect.scatter.add.f32 [tilespmem:s10], [sflag:$0x7], $0x80, s29, s25, $0xb8;
	[tilespmem:$0x1FF00] =	vst v63  }
0x22: {  	_ =	swait.ge [sflag:s23], $0x4000  }
0x23: {  	[sflag:s23] =	ssyncset.done $0x0  }
0x24: {  	[sflag:s23] =	ssyncadd.s32 $0xFFFFC000  }
0x25: {  	[bflag:$0x0] =	sbarrier.arrive $0xFFFF  }
0x26: {  	s15 =	rddreg [dreg:$0x6]  }
0x27: {  	s9 =	rddreg [dreg:$0xd]  }
0x28: {  	[hbm:s9], [sflag:s15] =	dma.local [spmem:s14], $0x2780  }
0x29: {  	_ =	swait.ge [sflag:s23], $0x2780  }
0x2a: {  	s13 =	sadd.s32 $0x1, s13;
	s22 =	rddreg [dreg:$0xe]  }
0x2b: {  	p0 =	sne.s32 s13, s22  }
.Ltmp1:
0x2c: {  	_ = 	snop;
	(pc) =	sbr.rel @!p0 .LBB2_5-.Ltmp1, $3  }
0x2d: {  	_ =	sdelay $0x1  }
0x2e: {  	[sflag:s23] =	ssyncset.done $0x0  }
0x2f: {  	[sflag:s23] =	ssyncadd.s32 $0xFFFFD880  }
.LBB2_1:
0x30: {  	s9 =	rddreg [dreg:$0x4]  }
0x31: {  	s16 =	rddreg [dreg:$0x5];
	s14 =	sshrl.u32 s9, $0x3  }
0x32: {  	[spmem:s14], [sflag:s15] =	dma.local [hbm:s16], $0x2780  }
0x33: {  	_ =	swait.ge [sflag:s23], $0x2780  }
0x34: {  	[sflag:s23] =	ssyncset.done $0x0  }
0x35: {  	s17 =	rddreg [dreg:$0x7];
	[sflag:s23] =	ssyncadd.s32 $0xFFFFD880  }
0x36: {  	[tilespmem:s4], [sflag:$0x1] =	stream.linear.gather [hbm4b:s17+s4], $0x80, $0x38;
	[tilespmem:$0x1FF00] =	vst v63  }
0x37: {  	s22 =	rddreg [dreg:$0x8]  }
0x38: {  	[tilespmem:s24], [sflag:$0x1] =	stream.linear.gather [hbm4b:s22+s4], $0x80, $0x38;
	[tilespmem:$0x1FF00] =	vst v63  }
0x39: {  	s15 =	rddreg [dreg:$0x9]  }
0x3a: {  	[tilespmem:s25], [sflag:$0x2] =	stream.linear.gather [hbm4b:s15+s4], $0x80, $0x38;
	[tilespmem:$0x1FF00] =	vst v63  }
0x3b: {  	s16 =	rddreg [dreg:$0xa]  }
0x3c: {  	[tilespmem:s26], [sflag:$0x2] =	stream.linear.gather [hbm4b:s16+s4], $0x80, $0x38;
	[tilespmem:$0x1FF00] =	vst v63  }
0x3d: {  	s17 =	rddreg [dreg:$0xb]  }
0x3e: {  	[tilespmem:s28], [sflag:$0x3] =	stream.linear.gather [hbm4b:s17+s4], $0x80, $0x38;
	[tilespmem:$0x1FF00] =	vst v63  }
0x3f: {  	s22 =	rddreg [dreg:$0xc]  }
0x40: {  	[tilespmem:s29], [sflag:$0x3] =	stream.linear.gather [hbm4b:s22+s4], $0x80, $0x38;
	[tilespmem:$0x1FF00] =	vst v63  }
0x41: {  	_ =	swait.ge [sflag:s30], $0x80  }
0x42: {  	[sflag:s30] =	ssyncset.done $0x0  }
0x43: {  	[sflag:s30] =	ssyncadd.s32 $0xFFFFFF80  }
0x44: {  	_ =	swait.ge [sflag:s30], $0x80  }
0x45: {  	[sflag:s30] =	ssyncset.done $0x0  }
0x46: {  	[sflag:s30] =	ssyncadd.s32 $0xFFFFFF80  }
0x47: {  	[tilespmem:s31], [sflag:$0x4] =	stream.indirect.gather [hbm4b:s5+s25], $0x80, s4, s25, $0xb8;
	[tilespmem:$0x1FF00] =	vst v63  }
0x48: {  	_ =	swait.ge [sflag:s0], $0x80  }
0x49: {  	[sflag:s0] =	ssyncset.done $0x0  }
0x4a: {  	[sflag:s0] =	ssyncadd.s32 $0xFFFFFF80  }
0x4b: {  	_ =	swait.ge [sflag:s0], $0x80  }
0x4c: {  	[sflag:s0] =	ssyncset.done $0x0  }
0x4d: {  	[sflag:s0] =	ssyncadd.s32 $0xFFFFFF80  }
0x4e: {  	[tilespmem:s1], [sflag:$0x5] =	stream.indirect.gather [hbm4b:s5+s25], $0x80, s25, s25, $0xb8;
	[tilespmem:$0x1FF00] =	vst v63  }
0x4f: {  	[bflag:$0x0] =	sbarrier.arrive $0xFFFF  }
0x50: {  	s16 =	simm.s32 $0x0;
	s22 =	rddreg [dreg:$0xf]  }
.LBB2_2:
0x51: {  	_ =	swait.ge [sflag:s7], $0x4000  }
0x52: {  	[sflag:s7] =	ssyncset.done $0x0  }
0x53: {  	[sflag:s7] =	ssyncadd.s32 $0xFFFFC000  }
0x54: {  	[spmem:s3] =	stream.indirect.scatter.add.f32 [tilespmem:s31], [sflag:$0x7], $0x80, s24, s25, $0xb8;
	[tilespmem:$0x1FF00] =	vst v63  }
0x55: {  	p0 =	seq.s32 s16, $0x4E0;
	_ =	swait.ge [sflag:s23], $0x4000  }
0x56: {  	s17 =	sshrl.u32 @!p0 s22, $0x3;
	[sflag:s23] =	ssyncset.done $0x0  }
0x57: {  	s9 =	simm.s32 @!p0 $0x0;
	s15 =	sadd.s32 @!p0 s2, s17;
	[sflag:s23] =	ssyncadd.s32 $0xFFFFC000  }
0x58: {  	[tilespmem:s9], [sflag:$0x1] =	stream.linear.gather @!p0 [hbm4b:s15+s9], $0x80, $0x38;
	[tilespmem:$0x1FF00] =	vst v63  }
0x59: {  	s15 =	sadd.s32 @!p0 s6, s17;
	s17 =	simm.s32 @!p0 $0x180  }
0x5a: {  	[tilespmem:s17], [sflag:$0x1] =	stream.linear.gather @!p0 [hbm4b:s15+s9], $0x80, $0x38;
	[tilespmem:$0x1FF00] =	vst v63  }
0x5b: {  	_ =	swait.ge [sflag:s8], $0x80  }
0x5c: {  	[sflag:s8] =	ssyncset.done $0x0  }
0x5d: {  	[sflag:s8] =	ssyncadd.s32 $0xFFFFFF80  }
0x5e: {  	_ =	swait.ge [sflag:s8], $0x80  }
0x5f: {  	[sflag:s8] =	ssyncset.done $0x0  }
0x60: {  	[sflag:s8] =	ssyncadd.s32 $0xFFFFFF80  }
0x61: {  	[tilespmem:s10], [sflag:$0x6] =	stream.indirect.gather [hbm4b:s5+s25], $0x80, s28, s25, $0xb8;
	[tilespmem:$0x1FF00] =	vst v63  }
0x62: {  	_ =	swait.ge [sflag:s11], $0x4000  }
0x63: {  	[sflag:s11] =	ssyncset.done $0x0  }
.Ltmp2:
0x64: {  	[sflag:s11] =	ssyncadd.s32 $0xFFFFC000;
	(pc) =	sbr.rel @p0 .LBB2_4-.Ltmp2, $4  }
0x65: {  	[spmem:s3] =	stream.indirect.scatter.add.f32 [tilespmem:s1], [sflag:$0x7], $0x80, s26, s25, $0xb8;
	[tilespmem:$0x1FF00] =	vst v63  }
0x66: {  	_ =	swait.ge [sflag:s23], $0x4000  }
0x67: {  	[sflag:s23] =	ssyncset.done $0x0  }
0x68: {  	[sflag:s23] =	ssyncadd.s32 $0xFFFFC000  }
0x69: {  	s9 =	sadd.s32 s16, s21  }
0x6a: {  	[tilespmem:s25], [sflag:$0x2] =	stream.linear.gather [hbm4b:s9+s4], $0x80, $0x38;
	[tilespmem:$0x1FF00] =	vst v63  }
0x6b: {  	s17 =	sadd.s32 s16, s20  }
0x6c: {  	[tilespmem:s26], [sflag:$0x2] =	stream.linear.gather [hbm4b:s17+s4], $0x80, $0x38;
	[tilespmem:$0x1FF00] =	vst v63  }
0x6d: {  	_ =	swait.ge [sflag:s30], $0x80  }
0x6e: {  	[sflag:s30] =	ssyncset.done $0x0  }
0x6f: {  	[sflag:s30] =	ssyncadd.s32 $0xFFFFFF80  }
0x70: {  	_ =	swait.ge [sflag:s30], $0x80  }
0x71: {  	[sflag:s30] =	ssyncset.done $0x0  }
0x72: {  	[sflag:s30] =	ssyncadd.s32 $0xFFFFFF80  }
0x73: {  	[tilespmem:s31], [sflag:$0x4] =	stream.indirect.gather [hbm4b:s5+s25], $0x80, s4, s25, $0xb8;
	[tilespmem:$0x1FF00] =	vst v63  }
0x74: {  	_ =	swait.ge [sflag:s12], $0x4000  }
0x75: {  	[sflag:s12] =	ssyncset.done $0x0  }
0x76: {  	[sflag:s12] =	ssyncadd.s32 $0xFFFFC000  }
0x77: {  	[spmem:s3] =	stream.indirect.scatter.add.f32 [tilespmem:s10], [sflag:$0x7], $0x80, s29, s25, $0xb8;
	[tilespmem:$0x1FF00] =	vst v63  }
0x78: {  	_ =	swait.ge [sflag:s23], $0x4000  }
0x79: {  	[sflag:s23] =	ssyncset.done $0x0  }
0x7a: {  	s15 =	sadd.s32 s16, s19;
	[sflag:s23] =	ssyncadd.s32 $0xFFFFC000  }
0x7b: {  	[tilespmem:s28], [sflag:$0x3] =	stream.linear.gather [hbm4b:s15+s4], $0x80, $0x38;
	[tilespmem:$0x1FF00] =	vst v63  }
0x7c: {  	s17 =	sadd.s32 s16, s18  }
0x7d: {  	[tilespmem:s29], [sflag:$0x3] =	stream.linear.gather [hbm4b:s17+s4], $0x80, $0x38;
	[tilespmem:$0x1FF00] =	vst v63  }
0x7e: {  	_ =	swait.ge [sflag:s0], $0x80  }
0x7f: {  	[sflag:s0] =	ssyncset.done $0x0  }
.Ltmp3:
0x80: {  	[sflag:s0] =	ssyncadd.s32 $0xFFFFFF80;
	(pc) =	sbr.rel .LBB2_2-.Ltmp3, $4  }
0x81: {  	_ =	swait.ge [sflag:s0], $0x80  }
0x82: {  	[sflag:s0] =	ssyncset.done $0x0  }
0x83: {  	s22 =	sadd.s32 $0x180, s22;
	s16 =	sadd.s32 $0x30, s16;
	[sflag:s0] =	ssyncadd.s32 $0xFFFFFF80  }
0x84: {  	[tilespmem:s1], [sflag:$0x5] =	stream.indirect.gather [hbm4b:s5+s25], $0x80, s25, s25, $0xb8;
	[tilespmem:$0x1FF00] =	vst v63  }
.LBB2_5:
0x85: {  	_ =	sfence.sel $0x180000  }
0x86: {  	[bflag:$0x0] =	sbarrier.arrive $0xFFFF  }
0x87: {  	_ =	strace $0x90000047  }
0x88: {  	s0 =	stileid.u32;
	[bflag:$0x2] =	sbarrier.arrive $0xFFFF  }
0x89: {  	p0 =	sne.s32 s0, $0x0;
	s0 =	rddreg [dreg:$0x3]  }
0x8a: {  	s0 =	sadd.s32 @!p0 $0x100000, s0  }
0x8b: {  	[sflag:s0] =	ssyncadd.tile.s32 @!p0 $0x1;
	_ =	shalt  }
.Lfunc_end2:
_tile_overlayer_lowered:
.L_overlay_start_2:
0x8c: {  	(tag) =	ssettag $0x2  }
0x8d: {  	s0 =	rddreg [dreg:$0x0];
	s2 =	stileid.u32  }
0x8e: {  	s1 =	rddreg [dreg:$0x1];
	p0 =	sne.s32 s2, $0x0  }
0x8f: {  	s3 =	rddreg [dreg:$0x2];
	[bflag:$0x3] =	sbarrier.arrive $0xFFFF;
	s2 =	simm.s32 @!p0 $0x1C07  }
0x90: {  	[timem:s3], [sflag:s2] =	dma.local @!p0 [hbm:s0], s1  }
0x91: {  	s0 =	simm.s32 @!p0 $0x7  }
0x92: {  	_ =	swait.ge @!p0 [sflag:s0], s1  }
0x93: {  	s1 =	ssub.s32 @!p0 $0x0, s1;
	[sflag:s0] =	ssyncset.done @!p0 $0x0  }
0x94: {  	[sflag:s0] =	ssyncadd.s32 @!p0 s1  }
0x95: {  	[bflag:$0x3] =	sbarrier.arrive $0xFFFF  }
0x96: {  	_ =	shalt  }

</sc_bundles>
